<compile_context>
chip_gen: v7x
topology: tpu7x:2x2x1
jax: 0.10.2.dev20260603
libtpu: 0.0.44.dev20260713+nightly
codegen_flags: <defaults>
</compile_context>

<pallas_src>
import functools

import jax
import jax.numpy as jnp
from jax import lax
from jax.experimental import pallas as pl
from jax.experimental.pallas import tpu as pltpu
from jax.experimental.pallas import tpu_sc as plsc

_D = 128
_CS = 256
_NB = 4
_BLK = 8192
_SPLIT = 229376


def _sc_copy_tail(rows, split):
    info = plsc.get_sparse_core_info()
    nc, ns = info.num_cores, info.num_subcores
    nw = nc * ns
    tail = rows - split
    rpw = tail // nw
    n = rpw // _CS

    mesh = plsc.VectorSubcoreMesh(core_axis_name="c", subcore_axis_name="s")

    @functools.partial(
        pl.kernel,
        mesh=mesh,
        out_type=jax.ShapeDtypeStruct((rows, _D), jnp.float32),
        scratch_types=(
            [pltpu.VMEM_SHARED((ns, _CS, _D), jnp.float32) for _ in range(_NB)]
            + [pltpu.SemaphoreType.DMA for _ in range(2 * _NB)]
        ),
    )
    def sc_copy(src_hbm, dst_hbm, *scratch):
        shared = scratch[:_NB]
        sin = scratch[_NB : 2 * _NB]
        sout = scratch[2 * _NB :]
        cid = lax.axis_index("c")
        sid = lax.axis_index("s")
        wid = sid * nc + cid
        base = split + wid * rpw
        bufs = [shared[b].at[sid] for b in range(_NB)]

        in_copies = [None] * n
        out_copies = [None] * n
        for i in range(min(_NB, n)):
            in_copies[i] = pltpu.async_copy(
                src_hbm.at[pl.ds(base + i * _CS, _CS)], bufs[i % _NB], sin[i % _NB]
            )
        for i in range(n):
            b = i % _NB
            if i >= _NB:
                out_copies[i - _NB].wait()
                in_copies[i] = pltpu.async_copy(
                    src_hbm.at[pl.ds(base + i * _CS, _CS)], bufs[b], sin[b]
                )
            in_copies[i].wait()
            out_copies[i] = pltpu.async_copy(
                bufs[b], dst_hbm.at[pl.ds(base + i * _CS, _CS)], sout[b]
            )
        for i in range(max(0, n - _NB), n):
            out_copies[i].wait()

    return sc_copy


def _tc_copy_body(in_ref, out_ref):
    out_ref[...] = in_ref[...]


def _tc_copy_full(rows):
    spec = pl.BlockSpec((_BLK, _D), lambda i: (i, 0))
    return pl.pallas_call(
        _tc_copy_body,
        grid=(rows // _BLK,),
        out_shape=jax.ShapeDtypeStruct((rows, _D), jnp.float32),
        in_specs=[spec],
        out_specs=spec,
    )


def _tc_fill_head_body(in_ref, vbuf_ref, out_ref):
    out_ref[...] = in_ref[...]


def _tc_fill_head(rows, split):
    spec = pl.BlockSpec((_BLK, _D), lambda i: (i, 0))
    return pl.pallas_call(
        _tc_fill_head_body,
        grid=(split // _BLK,),
        out_shape=jax.ShapeDtypeStruct((rows, _D), jnp.float32),
        in_specs=[spec, pl.BlockSpec(memory_space=pl.ANY)],
        out_specs=spec,
        input_output_aliases={1: 0},
    )


def kernel(key_states, value_states, layer_idx):
    shape = key_states.shape
    rows = shape[0] * shape[1] * shape[2]
    k2 = key_states.reshape(rows, _D)
    v2 = value_states.reshape(rows, _D)
    vbuf = _sc_copy_tail(rows, _SPLIT)(v2)
    ko = _tc_copy_full(rows)(k2)
    vo = _tc_fill_head(rows, _SPLIT)(v2, vbuf)
    return (ko.reshape(shape), vo.reshape(shape))

# --- scband reference (transcript-rebuilt; emitter-appended) ---
"""Pipeline reference for scband-cascading-sink-cach-original-26980984553672 (READ-ONLY COPY).

The authoritative reference and input builder live on the scoring server;
editing this copy changes nothing except your own understanding.
"""

import jax, jax.numpy as jnp
import numpy as np


def setup_inputs(seed: int = 0) -> dict:
    key = jax.random.key(seed)
    k1, k2 = jax.random.split(key)
    key_states = jax.random.normal(k1, (4, 32, 2048, 128), dtype=jnp.float32)
    value_states = jax.random.normal(k2, (4, 32, 2048, 128), dtype=jnp.float32)
    return {"key_states": key_states, "value_states": value_states, "layer_idx": 0}


def reference(key_states, value_states, layer_idx):
    # Faithful translation of CascadingSinkCachOriginal.update() for the first call on a
    # freshly-constructed cache with layer_idx == 0:
    #   - _seen_tokens is incremented by key_states.shape[-2]
    #   - len(self.sink_keys) == 0 <= layer_idx, so the incoming key/value states are
    #     appended as the sink cache and returned unchanged.
    # This is a pure memory-movement (cache write + read-back) operation.
    sink_keys = key_states
    sink_values = value_states
    return (sink_keys, sink_values)

if __name__ == "__main__":
    import jax
    _d = setup_inputs()
    print(jax.jit(kernel)(*tuple(_d.values())))

</pallas_src>

<mosaic_0001>
#map = affine_map<(d0, d1) -> (0, 0)>
module attributes {stable_mosaic.version = 14 : i64} {
  func.func @sc_copy(%arg0: i32, %arg1: i32, %arg2: memref<262144x128xf32, #tpu.memory_space<hbm>>, %arg3: memref<262144x128xf32, #tpu.memory_space<hbm>>, %arg4: memref<16x256x128xf32, #tpu.memory_space<vmem_shared>>, %arg5: memref<16x256x128xf32, #tpu.memory_space<vmem_shared>>, %arg6: memref<16x256x128xf32, #tpu.memory_space<vmem_shared>>, %arg7: memref<16x256x128xf32, #tpu.memory_space<vmem_shared>>, %arg8: memref<!tpu.dma_semaphore, #tpu.memory_space<semaphore_mem>>, %arg9: memref<!tpu.dma_semaphore, #tpu.memory_space<semaphore_mem>>, %arg10: memref<!tpu.dma_semaphore, #tpu.memory_space<semaphore_mem>>, %arg11: memref<!tpu.dma_semaphore, #tpu.memory_space<semaphore_mem>>, %arg12: memref<!tpu.dma_semaphore, #tpu.memory_space<semaphore_mem>>, %arg13: memref<!tpu.dma_semaphore, #tpu.memory_space<semaphore_mem>>, %arg14: memref<!tpu.dma_semaphore, #tpu.memory_space<semaphore_mem>>, %arg15: memref<!tpu.dma_semaphore, #tpu.memory_space<semaphore_mem>>) attributes {dimension_semantics = [#tpu.dimension_semantics<core_parallel>, #tpu.dimension_semantics<subcore_parallel>], iteration_bounds = array<i64: 2, 16>, scalar_prefetch = 0 : i64, scratch_operands = 12 : i64, tpu.core_type = #tpu.core_type<sc_vector_subcore>, window_params = [{transform_indices = #map}, {transform_indices = #map}]} {
    %mul3A = arith.constant 2 : i32
    %mul3A_0 = arith.muli %arg1, %mul3A : i32
    %add3A = arith.addi %mul3A_0, %arg0 : i32
    %mul3A_1 = arith.constant 1024 : i32
    %mul3A_2 = arith.muli %add3A, %mul3A_1 : i32
    %add3A_3 = arith.constant 229376 : i32
    %add3A_4 = arith.addi %add3A_3, %mul3A_2 : i32
    %add3A_5 = arith.constant 0 : i32
    %add3A_6 = arith.addi %add3A_4, %add3A_5 : i32
    %dma_start3A = arith.constant 0 : i32
    %dma_start3A_7 = arith.constant 0 : i32
    %dma_start3A_8 = tpu.memref_slice %arg4[%arg1, %dma_start3A, %dma_start3A_7] : memref<16x256x128xf32, #tpu.memory_space<vmem_shared>> -> memref<1x256x128xf32, #tpu.memory_space<vmem_shared>>
    %dma_start3A_9 = tpu.memref_squeeze %dma_start3A_8 : memref<1x256x128xf32, #tpu.memory_space<vmem_shared>> -> memref<256x128xf32, #tpu.memory_space<vmem_shared>>
    %dma_start3A_10 = arith.constant 0 : i32
    %dma_start3A_11 = tpu.memref_slice %arg2[%add3A_6, %dma_start3A_10] : memref<262144x128xf32, #tpu.memory_space<hbm>> -> memref<256x128xf32, #tpu.memory_space<hbm>>
    tpu.enqueue_dma source(%dma_start3A_11 : memref<256x128xf32, #tpu.memory_space<hbm>>) target(%dma_start3A_9 : memref<256x128xf32, #tpu.memory_space<vmem_shared>>) target_semaphore(%arg8 : memref<!tpu.dma_semaphore, #tpu.memory_space<semaphore_mem>>)
    %add3A_12 = arith.constant 256 : i32
    %add3A_13 = arith.addi %add3A_4, %add3A_12 : i32
    %dma_start3A_14 = arith.constant 0 : i32
    %dma_start3A_15 = arith.constant 0 : i32
    %dma_start3A_16 = tpu.memref_slice %arg5[%arg1, %dma_start3A_14, %dma_start3A_15] : memref<16x256x128xf32, #tpu.memory_space<vmem_shared>> -> memref<1x256x128xf32, #tpu.memory_space<vmem_shared>>
    %dma_start3A_17 = tpu.memref_squeeze %dma_start3A_16 : memref<1x256x128xf32, #tpu.memory_space<vmem_shared>> -> memref<256x128xf32, #tpu.memory_space<vmem_shared>>
    %dma_start3A_18 = arith.constant 0 : i32
    %dma_start3A_19 = tpu.memref_slice %arg2[%add3A_13, %dma_start3A_18] : memref<262144x128xf32, #tpu.memory_space<hbm>> -> memref<256x128xf32, #tpu.memory_space<hbm>>
    tpu.enqueue_dma source(%dma_start3A_19 : memref<256x128xf32, #tpu.memory_space<hbm>>) target(%dma_start3A_17 : memref<256x128xf32, #tpu.memory_space<vmem_shared>>) target_semaphore(%arg9 : memref<!tpu.dma_semaphore, #tpu.memory_space<semaphore_mem>>)
    %add3A_20 = arith.constant 512 : i32
    %add3A_21 = arith.addi %add3A_4, %add3A_20 : i32
    %dma_start3A_22 = arith.constant 0 : i32
    %dma_start3A_23 = arith.constant 0 : i32
    %dma_start3A_24 = tpu.memref_slice %arg6[%arg1, %dma_start3A_22, %dma_start3A_23] : memref<16x256x128xf32, #tpu.memory_space<vmem_shared>> -> memref<1x256x128xf32, #tpu.memory_space<vmem_shared>>
    %dma_start3A_25 = tpu.memref_squeeze %dma_start3A_24 : memref<1x256x128xf32, #tpu.memory_space<vmem_shared>> -> memref<256x128xf32, #tpu.memory_space<vmem_shared>>
    %dma_start3A_26 = arith.constant 0 : i32
    %dma_start3A_27 = tpu.memref_slice %arg2[%add3A_21, %dma_start3A_26] : memref<262144x128xf32, #tpu.memory_space<hbm>> -> memref<256x128xf32, #tpu.memory_space<hbm>>
    tpu.enqueue_dma source(%dma_start3A_27 : memref<256x128xf32, #tpu.memory_space<hbm>>) target(%dma_start3A_25 : memref<256x128xf32, #tpu.memory_space<vmem_shared>>) target_semaphore(%arg10 : memref<!tpu.dma_semaphore, #tpu.memory_space<semaphore_mem>>)
    %add3A_28 = arith.constant 768 : i32
    %add3A_29 = arith.addi %add3A_4, %add3A_28 : i32
    %dma_start3A_30 = arith.constant 0 : i32
    %dma_start3A_31 = arith.constant 0 : i32
    %dma_start3A_32 = tpu.memref_slice %arg7[%arg1, %dma_start3A_30, %dma_start3A_31] : memref<16x256x128xf32, #tpu.memory_space<vmem_shared>> -> memref<1x256x128xf32, #tpu.memory_space<vmem_shared>>
    %dma_start3A_33 = tpu.memref_squeeze %dma_start3A_32 : memref<1x256x128xf32, #tpu.memory_space<vmem_shared>> -> memref<256x128xf32, #tpu.memory_space<vmem_shared>>
    %dma_start3A_34 = arith.constant 0 : i32
    %dma_start3A_35 = tpu.memref_slice %arg2[%add3A_29, %dma_start3A_34] : memref<262144x128xf32, #tpu.memory_space<hbm>> -> memref<256x128xf32, #tpu.memory_space<hbm>>
    tpu.enqueue_dma source(%dma_start3A_35 : memref<256x128xf32, #tpu.memory_space<hbm>>) target(%dma_start3A_33 : memref<256x128xf32, #tpu.memory_space<vmem_shared>>) target_semaphore(%arg11 : memref<!tpu.dma_semaphore, #tpu.memory_space<semaphore_mem>>)
    %dma_wait3A = arith.constant 0 : i32
    %dma_wait3A_36 = arith.constant 0 : i32
    %dma_wait3A_37 = tpu.memref_slice %arg4[%arg1, %dma_wait3A, %dma_wait3A_36] : memref<16x256x128xf32, #tpu.memory_space<vmem_shared>> -> memref<1x256x128xf32, #tpu.memory_space<vmem_shared>>
    %dma_wait3A_38 = tpu.memref_squeeze %dma_wait3A_37 : memref<1x256x128xf32, #tpu.memory_space<vmem_shared>> -> memref<256x128xf32, #tpu.memory_space<vmem_shared>>
    %dma_wait3A_39 = arith.constant 0 : i32
    %dma_wait3A_40 = tpu.memref_slice %arg2[%add3A_6, %dma_wait3A_39] : memref<262144x128xf32, #tpu.memory_space<hbm>> -> memref<256x128xf32, #tpu.memory_space<hbm>>
    tpu.wait_dma2 semaphore(%arg8 : memref<!tpu.dma_semaphore, #tpu.memory_space<semaphore_mem>>) src(%dma_wait3A_40 : memref<256x128xf32, #tpu.memory_space<hbm>>) dst(%dma_wait3A_38 : memref<256x128xf32, #tpu.memory_space<vmem_shared>>)
    %add3A_41 = arith.constant 0 : i32
    %add3A_42 = arith.addi %add3A_4, %add3A_41 : i32
    %dma_start3A_43 = arith.constant 0 : i32
    %dma_start3A_44 = tpu.memref_slice %arg3[%add3A_42, %dma_start3A_43] : memref<262144x128xf32, #tpu.memory_space<hbm>> -> memref<256x128xf32, #tpu.memory_space<hbm>>
    %dma_start3A_45 = arith.constant 0 : i32
    %dma_start3A_46 = arith.constant 0 : i32
    %dma_start3A_47 = tpu.memref_slice %arg4[%arg1, %dma_start3A_45, %dma_start3A_46] : memref<16x256x128xf32, #tpu.memory_space<vmem_shared>> -> memref<1x256x128xf32, #tpu.memory_space<vmem_shared>>
    %dma_start3A_48 = tpu.memref_squeeze %dma_start3A_47 : memref<1x256x128xf32, #tpu.memory_space<vmem_shared>> -> memref<256x128xf32, #tpu.memory_space<vmem_shared>>
    tpu.enqueue_dma source(%dma_start3A_48 : memref<256x128xf32, #tpu.memory_space<vmem_shared>>) target(%dma_start3A_44 : memref<256x128xf32, #tpu.memory_space<hbm>>) target_semaphore(%arg12 : memref<!tpu.dma_semaphore, #tpu.memory_space<semaphore_mem>>)
    %dma_wait3A_49 = arith.constant 0 : i32
    %dma_wait3A_50 = arith.constant 0 : i32
    %dma_wait3A_51 = tpu.memref_slice %arg5[%arg1, %dma_wait3A_49, %dma_wait3A_50] : memref<16x256x128xf32, #tpu.memory_space<vmem_shared>> -> memref<1x256x128xf32, #tpu.memory_space<vmem_shared>>
    %dma_wait3A_52 = tpu.memref_squeeze %dma_wait3A_51 : memref<1x256x128xf32, #tpu.memory_space<vmem_shared>> -> memref<256x128xf32, #tpu.memory_space<vmem_shared>>
    %dma_wait3A_53 = arith.constant 0 : i32
    %dma_wait3A_54 = tpu.memref_slice %arg2[%add3A_13, %dma_wait3A_53] : memref<262144x128xf32, #tpu.memory_space<hbm>> -> memref<256x128xf32, #tpu.memory_space<hbm>>
    tpu.wait_dma2 semaphore(%arg9 : memref<!tpu.dma_semaphore, #tpu.memory_space<semaphore_mem>>) src(%dma_wait3A_54 : memref<256x128xf32, #tpu.memory_space<hbm>>) dst(%dma_wait3A_52 : memref<256x128xf32, #tpu.memory_space<vmem_shared>>)
    %add3A_55 = arith.constant 256 : i32
    %add3A_56 = arith.addi %add3A_4, %add3A_55 : i32
    %dma_start3A_57 = arith.constant 0 : i32
    %dma_start3A_58 = tpu.memref_slice %arg3[%add3A_56, %dma_start3A_57] : memref<262144x128xf32, #tpu.memory_space<hbm>> -> memref<256x128xf32, #tpu.memory_space<hbm>>
    %dma_start3A_59 = arith.constant 0 : i32
    %dma_start3A_60 = arith.constant 0 : i32
    %dma_start3A_61 = tpu.memref_slice %arg5[%arg1, %dma_start3A_59, %dma_start3A_60] : memref<16x256x128xf32, #tpu.memory_space<vmem_shared>> -> memref<1x256x128xf32, #tpu.memory_space<vmem_shared>>
    %dma_start3A_62 = tpu.memref_squeeze %dma_start3A_61 : memref<1x256x128xf32, #tpu.memory_space<vmem_shared>> -> memref<256x128xf32, #tpu.memory_space<vmem_shared>>
    tpu.enqueue_dma source(%dma_start3A_62 : memref<256x128xf32, #tpu.memory_space<vmem_shared>>) target(%dma_start3A_58 : memref<256x128xf32, #tpu.memory_space<hbm>>) target_semaphore(%arg13 : memref<!tpu.dma_semaphore, #tpu.memory_space<semaphore_mem>>)
    %dma_wait3A_63 = arith.constant 0 : i32
    %dma_wait3A_64 = arith.constant 0 : i32
    %dma_wait3A_65 = tpu.memref_slice %arg6[%arg1, %dma_wait3A_63, %dma_wait3A_64] : memref<16x256x128xf32, #tpu.memory_space<vmem_shared>> -> memref<1x256x128xf32, #tpu.memory_space<vmem_shared>>
    %dma_wait3A_66 = tpu.memref_squeeze %dma_wait3A_65 : memref<1x256x128xf32, #tpu.memory_space<vmem_shared>> -> memref<256x128xf32, #tpu.memory_space<vmem_shared>>
    %dma_wait3A_67 = arith.constant 0 : i32
    %dma_wait3A_68 = tpu.memref_slice %arg2[%add3A_21, %dma_wait3A_67] : memref<262144x128xf32, #tpu.memory_space<hbm>> -> memref<256x128xf32, #tpu.memory_space<hbm>>
    tpu.wait_dma2 semaphore(%arg10 : memref<!tpu.dma_semaphore, #tpu.memory_space<semaphore_mem>>) src(%dma_wait3A_68 : memref<256x128xf32, #tpu.memory_space<hbm>>) dst(%dma_wait3A_66 : memref<256x128xf32, #tpu.memory_space<vmem_shared>>)
    %add3A_69 = arith.constant 512 : i32
    %add3A_70 = arith.addi %add3A_4, %add3A_69 : i32
    %dma_start3A_71 = arith.constant 0 : i32
    %dma_start3A_72 = tpu.memref_slice %arg3[%add3A_70, %dma_start3A_71] : memref<262144x128xf32, #tpu.memory_space<hbm>> -> memref<256x128xf32, #tpu.memory_space<hbm>>
    %dma_start3A_73 = arith.constant 0 : i32
    %dma_start3A_74 = arith.constant 0 : i32
    %dma_start3A_75 = tpu.memref_slice %arg6[%arg1, %dma_start3A_73, %dma_start3A_74] : memref<16x256x128xf32, #tpu.memory_space<vmem_shared>> -> memref<1x256x128xf32, #tpu.memory_space<vmem_shared>>
    %dma_start3A_76 = tpu.memref_squeeze %dma_start3A_75 : memref<1x256x128xf32, #tpu.memory_space<vmem_shared>> -> memref<256x128xf32, #tpu.memory_space<vmem_shared>>
    tpu.enqueue_dma source(%dma_start3A_76 : memref<256x128xf32, #tpu.memory_space<vmem_shared>>) target(%dma_start3A_72 : memref<256x128xf32, #tpu.memory_space<hbm>>) target_semaphore(%arg14 : memref<!tpu.dma_semaphore, #tpu.memory_space<semaphore_mem>>)
    %dma_wait3A_77 = arith.constant 0 : i32
    %dma_wait3A_78 = arith.constant 0 : i32
    %dma_wait3A_79 = tpu.memref_slice %arg7[%arg1, %dma_wait3A_77, %dma_wait3A_78] : memref<16x256x128xf32, #tpu.memory_space<vmem_shared>> -> memref<1x256x128xf32, #tpu.memory_space<vmem_shared>>
    %dma_wait3A_80 = tpu.memref_squeeze %dma_wait3A_79 : memref<1x256x128xf32, #tpu.memory_space<vmem_shared>> -> memref<256x128xf32, #tpu.memory_space<vmem_shared>>
    %dma_wait3A_81 = arith.constant 0 : i32
    %dma_wait3A_82 = tpu.memref_slice %arg2[%add3A_29, %dma_wait3A_81] : memref<262144x128xf32, #tpu.memory_space<hbm>> -> memref<256x128xf32, #tpu.memory_space<hbm>>
    tpu.wait_dma2 semaphore(%arg11 : memref<!tpu.dma_semaphore, #tpu.memory_space<semaphore_mem>>) src(%dma_wait3A_82 : memref<256x128xf32, #tpu.memory_space<hbm>>) dst(%dma_wait3A_80 : memref<256x128xf32, #tpu.memory_space<vmem_shared>>)
    %add3A_83 = arith.constant 768 : i32
    %add3A_84 = arith.addi %add3A_4, %add3A_83 : i32
    %dma_start3A_85 = arith.constant 0 : i32
    %dma_start3A_86 = tpu.memref_slice %arg3[%add3A_84, %dma_start3A_85] : memref<262144x128xf32, #tpu.memory_space<hbm>> -> memref<256x128xf32, #tpu.memory_space<hbm>>
    %dma_start3A_87 = arith.constant 0 : i32
    %dma_start3A_88 = arith.constant 0 : i32
    %dma_start3A_89 = tpu.memref_slice %arg7[%arg1, %dma_start3A_87, %dma_start3A_88] : memref<16x256x128xf32, #tpu.memory_space<vmem_shared>> -> memref<1x256x128xf32, #tpu.memory_space<vmem_shared>>
    %dma_start3A_90 = tpu.memref_squeeze %dma_start3A_89 : memref<1x256x128xf32, #tpu.memory_space<vmem_shared>> -> memref<256x128xf32, #tpu.memory_space<vmem_shared>>
    tpu.enqueue_dma source(%dma_start3A_90 : memref<256x128xf32, #tpu.memory_space<vmem_shared>>) target(%dma_start3A_86 : memref<256x128xf32, #tpu.memory_space<hbm>>) target_semaphore(%arg15 : memref<!tpu.dma_semaphore, #tpu.memory_space<semaphore_mem>>)
    %dma_wait3A_91 = arith.constant 0 : i32
    %dma_wait3A_92 = tpu.memref_slice %arg3[%add3A_42, %dma_wait3A_91] : memref<262144x128xf32, #tpu.memory_space<hbm>> -> memref<256x128xf32, #tpu.memory_space<hbm>>
    %dma_wait3A_93 = arith.constant 0 : i32
    %dma_wait3A_94 = arith.constant 0 : i32
    %dma_wait3A_95 = tpu.memref_slice %arg4[%arg1, %dma_wait3A_93, %dma_wait3A_94] : memref<16x256x128xf32, #tpu.memory_space<vmem_shared>> -> memref<1x256x128xf32, #tpu.memory_space<vmem_shared>>
    %dma_wait3A_96 = tpu.memref_squeeze %dma_wait3A_95 : memref<1x256x128xf32, #tpu.memory_space<vmem_shared>> -> memref<256x128xf32, #tpu.memory_space<vmem_shared>>
    tpu.wait_dma2 semaphore(%arg12 : memref<!tpu.dma_semaphore, #tpu.memory_space<semaphore_mem>>) src(%dma_wait3A_96 : memref<256x128xf32, #tpu.memory_space<vmem_shared>>) dst(%dma_wait3A_92 : memref<256x128xf32, #tpu.memory_space<hbm>>)
    %dma_wait3A_97 = arith.constant 0 : i32
    %dma_wait3A_98 = tpu.memref_slice %arg3[%add3A_56, %dma_wait3A_97] : memref<262144x128xf32, #tpu.memory_space<hbm>> -> memref<256x128xf32, #tpu.memory_space<hbm>>
    %dma_wait3A_99 = arith.constant 0 : i32
    %dma_wait3A_100 = arith.constant 0 : i32
    %dma_wait3A_101 = tpu.memref_slice %arg5[%arg1, %dma_wait3A_99, %dma_wait3A_100] : memref<16x256x128xf32, #tpu.memory_space<vmem_shared>> -> memref<1x256x128xf32, #tpu.memory_space<vmem_shared>>
    %dma_wait3A_102 = tpu.memref_squeeze %dma_wait3A_101 : memref<1x256x128xf32, #tpu.memory_space<vmem_shared>> -> memref<256x128xf32, #tpu.memory_space<vmem_shared>>
    tpu.wait_dma2 semaphore(%arg13 : memref<!tpu.dma_semaphore, #tpu.memory_space<semaphore_mem>>) src(%dma_wait3A_102 : memref<256x128xf32, #tpu.memory_space<vmem_shared>>) dst(%dma_wait3A_98 : memref<256x128xf32, #tpu.memory_space<hbm>>)
    %dma_wait3A_103 = arith.constant 0 : i32
    %dma_wait3A_104 = tpu.memref_slice %arg3[%add3A_70, %dma_wait3A_103] : memref<262144x128xf32, #tpu.memory_space<hbm>> -> memref<256x128xf32, #tpu.memory_space<hbm>>
    %dma_wait3A_105 = arith.constant 0 : i32
    %dma_wait3A_106 = arith.constant 0 : i32
    %dma_wait3A_107 = tpu.memref_slice %arg6[%arg1, %dma_wait3A_105, %dma_wait3A_106] : memref<16x256x128xf32, #tpu.memory_space<vmem_shared>> -> memref<1x256x128xf32, #tpu.memory_space<vmem_shared>>
    %dma_wait3A_108 = tpu.memref_squeeze %dma_wait3A_107 : memref<1x256x128xf32, #tpu.memory_space<vmem_shared>> -> memref<256x128xf32, #tpu.memory_space<vmem_shared>>
    tpu.wait_dma2 semaphore(%arg14 : memref<!tpu.dma_semaphore, #tpu.memory_space<semaphore_mem>>) src(%dma_wait3A_108 : memref<256x128xf32, #tpu.memory_space<vmem_shared>>) dst(%dma_wait3A_104 : memref<256x128xf32, #tpu.memory_space<hbm>>)
    %dma_wait3A_109 = arith.constant 0 : i32
    %dma_wait3A_110 = tpu.memref_slice %arg3[%add3A_84, %dma_wait3A_109] : memref<262144x128xf32, #tpu.memory_space<hbm>> -> memref<256x128xf32, #tpu.memory_space<hbm>>
    %dma_wait3A_111 = arith.constant 0 : i32
    %dma_wait3A_112 = arith.constant 0 : i32
    %dma_wait3A_113 = tpu.memref_slice %arg7[%arg1, %dma_wait3A_111, %dma_wait3A_112] : memref<16x256x128xf32, #tpu.memory_space<vmem_shared>> -> memref<1x256x128xf32, #tpu.memory_space<vmem_shared>>
    %dma_wait3A_114 = tpu.memref_squeeze %dma_wait3A_113 : memref<1x256x128xf32, #tpu.memory_space<vmem_shared>> -> memref<256x128xf32, #tpu.memory_space<vmem_shared>>
    tpu.wait_dma2 semaphore(%arg15 : memref<!tpu.dma_semaphore, #tpu.memory_space<semaphore_mem>>) src(%dma_wait3A_114 : memref<256x128xf32, #tpu.memory_space<vmem_shared>>) dst(%dma_wait3A_110 : memref<256x128xf32, #tpu.memory_space<hbm>>)
    return
  }
}

module attributes {stable_mosaic.version = 14 : i64} {
  func.func @_tc_fill_head_body(%arg0: i32, %arg1: memref<8192x128xf32, #tpu.memory_space<vmem>>, %arg2: memref<262144x128xf32, #tpu.memory_space<any>>, %arg3: memref<8192x128xf32, #tpu.memory_space<vmem>>) attributes {dimension_semantics = [#tpu.dimension_semantics<arbitrary>], iteration_bounds = array<i64: 28>, scalar_prefetch = 0 : i64, scratch_operands = 0 : i64, tpu.core_type = #tpu.core_type<tc>, window_params = [{transform_indices = @transform_0, window_bounds = array<i64: 8192, 128>}, {}, {transform_indices = @transform_2, window_bounds = array<i64: 8192, 128>}]} {
    %get3A = arith.constant 0 : index
    %get3A_0 = arith.constant 0 : index
    %get3A_1 = vector.load %arg1[%get3A, %get3A_0] : memref<8192x128xf32, #tpu.memory_space<vmem>>, vector<8192x128xf32>
    %swap3A = arith.constant 0 : index
    %swap3A_2 = arith.constant 0 : index
    %swap3A_3 = vector.load %arg3[%swap3A, %swap3A_2] : memref<8192x128xf32, #tpu.memory_space<vmem>>, vector<8192x128xf32>
    tpu.vector_store %arg3[%swap3A, %swap3A_2], %get3A_1 {strides = array<i32>} : memref<8192x128xf32, #tpu.memory_space<vmem>>, vector<8192x128xf32>,
    return
  }
  func.func @transform_0(%arg0: i32) -> (i32, i32) {
    %c0_i32 = arith.constant 0 : i32
    %c0_i32_0 = arith.constant 0 : i32
    return %arg0, %c0_i32 : i32, i32
  }
  func.func @transform_2(%arg0: i32) -> (i32, i32) {
    %c0_i32 = arith.constant 0 : i32
    %c0_i32_0 = arith.constant 0 : i32
    return %arg0, %c0_i32 : i32, i32
  }
}

module attributes {stable_mosaic.version = 14 : i64} {
  func.func @_tc_copy_body(%arg0: i32, %arg1: memref<8192x128xf32, #tpu.memory_space<vmem>>, %arg2: memref<8192x128xf32, #tpu.memory_space<vmem>>) attributes {dimension_semantics = [#tpu.dimension_semantics<arbitrary>], iteration_bounds = array<i64: 32>, scalar_prefetch = 0 : i64, scratch_operands = 0 : i64, tpu.core_type = #tpu.core_type<tc>, window_params = [{transform_indices = @transform_0, window_bounds = array<i64: 8192, 128>}, {transform_indices = @transform_1, window_bounds = array<i64: 8192, 128>}]} {
    %get3A = arith.constant 0 : index
    %get3A_0 = arith.constant 0 : index
    %get3A_1 = vector.load %arg1[%get3A, %get3A_0] : memref<8192x128xf32, #tpu.memory_space<vmem>>, vector<8192x128xf32>
    %swap3A = arith.constant 0 : index
    %swap3A_2 = arith.constant 0 : index
    %swap3A_3 = vector.load %arg2[%swap3A, %swap3A_2] : memref<8192x128xf32, #tpu.memory_space<vmem>>, vector<8192x128xf32>
    tpu.vector_store %arg2[%swap3A, %swap3A_2], %get3A_1 {strides = array<i32>} : memref<8192x128xf32, #tpu.memory_space<vmem>>, vector<8192x128xf32>,
    return
  }
  func.func @transform_0(%arg0: i32) -> (i32, i32) {
    %c0_i32 = arith.constant 0 : i32
    %c0_i32_0 = arith.constant 0 : i32
    return %arg0, %c0_i32 : i32, i32
  }
  func.func @transform_1(%arg0: i32) -> (i32, i32) {
    %c0_i32 = arith.constant 0 : i32
    %c0_i32_0 = arith.constant 0 : i32
    return %arg0, %c0_i32 : i32, i32
  }
}

</mosaic_0001>

<sc_bundles>
// kernel: kernel.5.cloned.1.call-start
scs
__scs_entry_jumppad:
0x0: {  	(pc) =	sbr.rel $0x88, $3  }
0x1: {  	(tag) =	ssettag $0x0;
	lr =	simm.s32 $0x1  }
0x2: {  	[smem:$0x3F9F] =	sst lr;
	_ =	strace $0xD0000000  }
0x3: {  	_ = 	snop  }
0x4: {  	_ = 	snop  }
0x5: {  	_ = 	snop  }
0x6: {  	_ = 	snop  }
0x7: {  	_ = 	snop  }
__scs_overlays_trampoline_lowered:
0x8: {  	[smem:$0x3FAE] =	sst s0  }
0x9: {  	[smem:$0x3FAF] =	sst s1  }
0xa: {  	[smem:$0x3FB0] =	sst s2  }
0xb: {  	[smem:$0x3FB1] =	sst s3  }
0xc: {  	[smem:$0x3FB2] =	sst s4  }
0xd: {  	[smem:$0x3FB3] =	sst s5  }
0xe: {  	[smem:$0x3FB4] =	sst s6  }
0xf: {  	[smem:$0x3FB5] =	sst s7  }
0x10: {  	[smem:$0x3FB6] =	sst s8  }
0x11: {  	[smem:$0x3FB7] =	sst s9;
	s0 =	simm.s32 @!p0 $0x0  }
0x12: {  	s1 =	sld [smem:$0x3F9D];
	s0 =	simm.s32 @p0 $0x1  }
0x13: {  	[smem:$0x3FB8] =	sst s0;
	s0 =	simm.s32 @!p1 $0x0  }
0x14: {  	s2 =	sld [smem:$0x3F9C];
	s0 =	simm.s32 @p1 $0x1  }
0x15: {  	[smem:$0x3FB9] =	sst s0;
	s0 =	simm.s32 @!p2 $0x0  }
0x16: {  	s3 =	sld [smem:$0x3FDB];
	s0 =	simm.s32 @p2 $0x1  }
0x17: {  	s4 =	simm.s32 $0x1BF5;
	[smem:$0x3FBB] =	sst s0  }
0x18: {  	s0 =	sld [smem:$0x3F9E];
	_ =	swait.ge [sflag:s4], $0x0  }
0x19: {  	s7 =	sld [smem:$0x3F9F]  }
0x1a: {  	s8 =	sadd.s32 $0xFFFFE003, lr  }
0x1b: {  	s9 =	sadd.s32 $0xFFFFFEF7, lr;
	s5 =	simm.s32 $0xFFFFFFFF;
	p2 =	slt.u32 s8, $0xFFFFF086  }
0x1c: {  	p1 =	slt.u32 s9, $0xF7A;
	s5 =	simm.s32 @!p2 $0x0  }
0x1d: {  	s5 =	simm.s32 @p1 $0x1;
	p0 =	seq.s32 s7, s2  }
0x1e: {  	s7 =	smul.u32 @!p0 $0xF7A, s2;
	p2 =	seq.s32 @!p0 s5, $0x0  }
0x1f: {  	s9 =	smul.u32 $0xF7A, s1;
	s8 =	simm.s32 @!p0 $0x1BF5;
	p2 =	por !p2, p0  }
0x20: {  	[sflag:s8] =	ssyncset.s32 @!p0 $0xFFFFF086;
	s6 =	sadd.s32 @!p0 s3, s7;
	s7 =	simm.s32 @!p0 $0x108  }
0x21: {  	s3 =	sadd.s32 s3, s9;
	s6 =	sadd.s32 @!p0 $0x88, s6;
	s7 =	simm.s32 @p2 $0x1082  }
0x22: {  	[simem:s7], [sflag:s8] =	dma.local @!p0 [hbm:s6], $0xF7A  }
0x23: {  	s9 =	sor.u32 $0xD0000000, s2;
	s6 =	simm.s32 $0x108;
	_ =	swait.ge @!p0 [sflag:s8], $0x0  }
0x24: {  	s3 =	sadd.s32 $0x88, s3;
	s6 =	simm.s32 @!p1 $0x1082;
	[sflag:s4] =	ssyncset.s32 $0xFFFFF086  }
0x25: {  	[simem:s6], [sflag:s4] =	dma.local [hbm:s3], $0xF7A  }
0x26: {  	[smem:$0x3F9F] =	sst s1;
	(tag) =	ssettag s2;
	_ =	strace s9  }
0x27: {  	s1 =	sld [smem:$0x3FAF]  }
0x28: {  	s2 =	sld [smem:$0x3FB0]  }
0x29: {  	s4 =	sld [smem:$0x3FB2]  }
0x2a: {  	p0 =	seq.s32 s5, $0x0;
	s5 =	sld [smem:$0x3FB3]  }
0x2b: {  	s6 =	sld [smem:$0x3FB4]  }
0x2c: {  	s7 =	sld [smem:$0x3FB5]  }
0x2d: {  	s3 =	simm.s32 $0x108;
	s8 =	sld [smem:$0x3FB6]  }
0x2e: {  	s3 =	simm.s32 @!p0 $0x1082;
	s9 =	sld [smem:$0x3FB7]  }
0x2f: {  	lr =	sadd.s32 s0, s3;
	s0 =	sld [smem:$0x3FAE]  }
0x30: {  	s3 =	sld [smem:$0x3FB1]  }
0x31: {  	[smem:$0x3FBA] =	sst s10  }
0x32: {  	s10 =	sld [smem:$0x3FB8];
	_ =	sdelay $0x3  }
0x33: {  	p0 =	seq.s32 s10, $0x1;
	s10 =	sld [smem:$0x3FBA];
	_ =	sdelay $0x3  }
0x34: {  	[smem:$0x3FBA] =	sst s10  }
0x35: {  	s10 =	sld [smem:$0x3FB9];
	_ =	sdelay $0x3  }
0x36: {  	p1 =	seq.s32 s10, $0x1;
	s10 =	sld [smem:$0x3FBA];
	_ =	sdelay $0x3  }
0x37: {  	[smem:$0x3FBA] =	sst s10  }
0x38: {  	s10 =	sld [smem:$0x3FBB]  }
0x39: {  	_ = 	snop;
	(pc) =	sbr.ind lr, $3  }
0x3a: {  	_ = 	snop  }
0x3b: {  	_ = 	snop  }
0x3c: {  	p2 =	seq.s32 s10, $0x1;
	s10 =	sld [smem:$0x3FBA]  }
0x3d: {  	_ =	shalt  }
0x3e: {  	_ =	shalt  }
0x3f: {  	_ =	shalt  }
0x40: {  	_ =	shalt  }
0x41: {  	_ =	shalt  }
0x42: {  	_ =	shalt  }
0x43: {  	_ =	shalt  }
0x44: {  	_ =	shalt  }
0x45: {  	_ =	shalt  }
0x46: {  	_ =	shalt  }
0x47: {  	_ =	shalt  }
0x48: {  	_ =	shalt  }
0x49: {  	_ =	shalt  }
0x4a: {  	_ =	shalt  }
0x4b: {  	_ =	shalt  }
0x4c: {  	_ =	shalt  }
0x4d: {  	_ =	shalt  }
0x4e: {  	_ =	shalt  }
0x4f: {  	_ =	shalt  }
0x50: {  	_ =	shalt  }
0x51: {  	_ =	shalt  }
0x52: {  	_ =	shalt  }
0x53: {  	_ =	shalt  }
0x54: {  	_ =	shalt  }
0x55: {  	_ =	shalt  }
0x56: {  	_ =	shalt  }
0x57: {  	_ =	shalt  }
0x58: {  	_ =	shalt  }
0x59: {  	_ =	shalt  }
0x5a: {  	_ =	shalt  }
0x5b: {  	_ =	shalt  }
0x5c: {  	_ =	shalt  }
0x5d: {  	_ =	shalt  }
0x5e: {  	_ =	shalt  }
0x5f: {  	_ =	shalt  }
0x60: {  	_ =	shalt  }
0x61: {  	_ =	shalt  }
0x62: {  	_ =	shalt  }
0x63: {  	_ =	shalt  }
0x64: {  	_ =	shalt  }
0x65: {  	_ =	shalt  }
0x66: {  	_ =	shalt  }
0x67: {  	_ =	shalt  }
0x68: {  	_ =	shalt  }
0x69: {  	_ =	shalt  }
0x6a: {  	_ =	shalt  }
0x6b: {  	_ =	shalt  }
0x6c: {  	_ =	shalt  }
0x6d: {  	_ =	shalt  }
0x6e: {  	_ =	shalt  }
0x6f: {  	_ =	shalt  }
0x70: {  	_ =	shalt  }
0x71: {  	_ =	shalt  }
0x72: {  	_ =	shalt  }
0x73: {  	_ =	shalt  }
0x74: {  	_ =	shalt  }
0x75: {  	_ =	shalt  }
0x76: {  	_ =	shalt  }
0x77: {  	_ =	shalt  }
0x78: {  	_ =	shalt  }
0x79: {  	_ =	shalt  }
0x7a: {  	_ =	shalt  }
0x7b: {  	_ =	shalt  }
0x7c: {  	_ =	shalt  }
0x7d: {  	_ =	shalt  }
0x7e: {  	_ =	shalt  }
0x7f: {  	_ =	shalt  }
0x80: {  	_ =	shalt  }
0x81: {  	_ =	shalt  }
0x82: {  	_ =	shalt  }
0x83: {  	_ =	shalt  }
0x84: {  	_ =	shalt  }
0x85: {  	_ =	shalt  }
0x86: {  	_ =	shalt  }
0x87: {  	_ =	shalt  }
.Lfunc_end0:
.L_simem_size_0:
called_computation_lowered:
.L_overlay_start_0:
0x88: {  	s2 =	sld [smem:$0x3FD9]  }
0x89: {  	s3 =	sld [smem:$0x3FFE];
	_ =	sdelay $0x1  }
0x8a: {  	s1 =	srdreg.scid  }
0x8b: {  	s0 =	sand.u32 $0x1, s1  }
0x8c: {  	s15 =	sshll.u32 s0, $0xA;
	s2 =	sadd.s32 s3, s2  }
0x8d: {  	s2 =	sadd.s32 s2, s15  }
0x8e: {  	[smem:$0x3FC6] =	sst s2  }
0x8f: {  	_ = 	snop  }
0x90: {  	s2 =	sld [smem:$0x3FD0];
	_ =	sdelay $0x2  }
0x91: {  	s4 =	simm.s32 $0xA;
	s5 =	simm.s32 $0x10;
	s16 =	sld [smem:$0x3FC8]  }
0x92: {  	[smem:s5], [sflag:s4] =	dma.local [hbm:s2], $0x1  }
0x93: {  	_ =	swait.eq [sflag:s4], $0x1  }
0x94: {  	[sflag:s4] =	ssyncset.done $0x0  }
0x95: {  	[sflag:s4] =	ssyncadd.s32 $0xFFFFFFFF  }
0x96: {  	s17 =	sld [smem:$0x11];
	(tm) =	ssettm $0x1  }
0x97: {  	s18 =	sld [smem:$0x3FFB];
	_ =	sdelay $0x3  }
0x98: {  	_ =	strace s18  }
0x99: {  	s4 =	sld [smem:$0x3FFC];
	_ =	sdelay $0x3  }
0x9a: {  	_ =	strace s4  }
0x9b: {  	s4 =	sld [smem:$0x3FFD];
	_ =	sdelay $0x3  }
0x9c: {  	_ =	strace s4  }
0x9d: {  	_ =	strace $0x8FFFFFFF  }
0x9e: {  	s19 =	sld [smem:$0x3FDB];
	_ =	sdelay $0x1  }
0x9f: {  	s20 =	simm.s32 $_scs_section_size  }
0xa0: {  	s6 =	simm.s32 $_size__tile_overlayer_lowered;
	s7 =	simm.s32 $_tile_overlayer_lowered  }
0xa1: {  	s23 =	simm.s32 $0x1BFF;
	s22 =	sshll.u32 s7, $0x1;
	s4 =	sadd.s32 s20, s19  }
0xa2: {  	s8 =	simm.s32 $0x0;
	s21 =	sshll.u32 s6, $0x1;
	s6 =	sadd.s32 s22, s4  }
0xa3: {  	[timem:s8], [sflag:s23] =	dma.local [hbm:s6], s21  }
0xa4: {  	_ =	swait.ge [sflag:s23], s21  }
0xa5: {  	s5 =	ssub.s32 $0x0, s21;
	[sflag:s23] =	ssyncset.done $0x0  }
0xa6: {  	[sflag:s23] =	ssyncadd.s32 s5;
	_ =	sdelay $0x1  }
0xa7: {  	s24 =	simm.s32 $0x1B8B  }
0xa8: {  	_ =	swait.ge [sflag:s24], $0x1  }
0xa9: {  	[sflag:s24] =	ssyncset.done $0x0  }
0xaa: {  	s25 =	simm.s32 $0x1B8E;
	[sflag:s24] =	ssyncadd.s32 $0xFFFFFFFF  }
0xab: {  	s26 =	simm.s32 $execute0_lowered;
	[smem:$0x3FD2] =	sst s25  }
0xac: {  	s5 =	sshll.u32 s26, $0x1;
	_ =	strace $0x80000046;
	[dreg:$0x1] =	wrdreg $0xFFFFFFFF  }
0xad: {  	s28 =	simm.s32 $_size_execute0_lowered;
	s4 =	sadd.s32 s4, s5;
	[dreg:$0x0] =	wrdreg $0x0  }
0xae: {  	s5 =	sshll.u32 s28, $0x1;
	[dreg:$0x2] =	wrdreg s4  }
0xaf: {  	[dreg:$0x3] =	wrdreg s5  }
0xb0: {  	[dreg:$0x4] =	wrdreg $0xC0  }
0xb1: {  	_ =	task [dreg:s8], $0x5FFFF  }
0xb2: {  	[dreg:$0x1] =	wrdreg $0xFFFFFFFF  }
0xb3: {  	[dreg:$0x0] =	wrdreg $0x60  }
0xb4: {  	[dreg:$0x2] =	wrdreg s16  }
0xb5: {  	[dreg:$0x3] =	wrdreg s17  }
0xb6: {  	[dreg:$0x4] =	wrdreg $0x0  }
0xb7: {  	[dreg:$0x5] =	wrdreg $0x80000  }
0xb8: {  	[dreg:$0x6] =	wrdreg $0x100000  }
0xb9: {  	[dreg:$0x7] =	wrdreg $0x180000  }
0xba: {  	[dreg:$0x8] =	wrdreg $0x9  }
0xbb: {  	_ =	task.clear_ibuf [dreg:s8], $0x9FFFF;
	_ =	strace $0x90000046  }
0xbc: {  	s29 =	simm.s32 $0x9;
	_ =	strace $0x80000048  }
0xbd: {  	_ =	swait.ge [sflag:s29], $0x1  }
0xbe: {  	[sflag:s29] =	ssyncadd.s32 $0xFFFFFFFF  }
0xbf: {  	_ =	strace $0x90000048  }
0xc0: {  	_ =	sfence  }
0xc1: {  	s30 =	sld [smem:$0x0];
	_ =	sdelay $0x2  }
0xc2: {  	s31 =	sshll.u32 s1, $0xD;
	s1 =	sshrl.u32 s1, $0x2  }
0xc3: {  	s3 =	sand.u32 $0x4000, s31;
	s1 =	sadd.s32 s1, s30  }
0xc4: {  	s0 =	sor.u32 s3, s0;
	s1 =	sshll.u32 s1, $0x11  }
0xc5: {  	s0 =	sor.u32 s1, s0  }
0xc6: {  	s0 =	sadd.s32 $0x8F2B, s0  }
0xc7: {  	[sflag:s0] =	ssyncadd.remote.s32 $0x1  }
0xc8: {  	_ =	sfence.sel $0xFFFF  }
0xc9: {  	[dreg:$0x0] =	wrdreg $0xFFFFFFFF;
	(pc) =	sbr.abs _section_cstart, $3  }
0xca: {  	[dreg:$0x1] =	wrdreg $0xFFFFFFFF  }
0xcb: {  	_ =	task.clear_ibuf [dreg:s8], $0x2FFFF;
	_ =	strace $0x9FFFFFFF  }
0xcc: {  	(tm) =	ssettm $0x7FFFFFFF  }
0xcd: {  	_ =	shalt  }
tec
execute0_lowered:
.L_overlay_start_1:
0x0: {  	(tag) =	ssettag $0x1  }
0x1: {  	s5 =	rddreg [dreg:$0x0]  }
0x2: {  	s23 =	rddreg [dreg:$0x1]  }
0x3: {  	s2 =	rddreg [dreg:$0x2]  }
0x4: {  	s3 =	rddreg [dreg:$0x3];
	s1 =	srdreg.scid  }
0x5: {  	s4 =	rddreg [dreg:$0x4];
	s0 =	stileid.u32  }
0x6: {  	s6 =	rddreg [dreg:$0x5];
	s9 =	simm.s32 $0x0;
	s13 =	simm.s32 $0x1  }
0x7: {  	s28 =	sand.u32 $0x1, s1;
	s7 =	sshll.u32 s0, $0xF;
	s1 =	rddreg [dreg:$0x6]  }
0x8: {  	[smem:$0x7FF] =	sst s9;
	s24 =	sshll.u32 s0, $0x6;
	s8 =	sshll.u32 s28, $0xE  }
0x9: {  	_ =	strace $0x80000047;
	s26 =	sadd.s32 s7, s2;
	s2 =	sor.u32 $0x1C01, s24  }
0xa: {  	s10 =	sadd.s32 s7, s3;
	s11 =	sadd.s32 s7, s4;
	s12 =	sadd.s32 s7, s6  }
0xb: {  	s9 =	sor.u32 $0x1C03, s24;
	s8 =	sor.u32 s8, s7;
	s6 =	sshrl.u32 s26, $0x3  }
0xc: {  	s7 =	sor.u32 $0x1C02, s24;
	s12 =	sshrl.u32 s12, $0x3;
	s14 =	sor.u32 $0x380000, s8  }
0xd: {  	s17 =	sor.u32 $0x381000, s8;
	s20 =	sor.u32 $0x382000, s8;
	s25 =	sor.u32 $0x383000, s8  }
0xe: {  	s8 =	sshrl.u32 s10, $0x3;
	s10 =	sshrl.u32 s11, $0x3;
	s31 =	sadd.s32 s5, s14  }
0xf: {  	s11 =	sor.u32 $0x1C04, s24;
	s3 =	sadd.s32 s5, s17;
	[dreg:$0x7] =	wrdreg s31  }
0x10: {  	s4 =	sadd.s32 s5, s20;
	s5 =	sadd.s32 s5, s25;
	s15 =	rddreg [dreg:$0x7]  }
0x11: {  	[spmem:s6], [sflag:s2] =	dma.local [hbm:s15], $0x1000  }
0x12: {  	[spmem:s8], [sflag:s7] =	dma.local [hbm:s3], $0x1000  }
0x13: {  	[spmem:s10], [sflag:s9] =	dma.local [hbm:s4], $0x1000  }
0x14: {  	[spmem:s12], [sflag:s11] =	dma.local [hbm:s5], $0x1000  }
0x15: {  	_ =	swait.ge [sflag:s13], $0x1000  }
0x16: {  	s16 =	simm.s32 $0x2;
	[sflag:s13] =	ssyncset.done $0x0  }
0x17: {  	s14 =	sadd.s32 s23, s14;
	s15 =	sor.u32 $0x1C05, s24;
	[sflag:s13] =	ssyncadd.s32 $0xFFFFF000  }
0x18: {  	[hbm:s14], [sflag:s15] =	dma.local [spmem:s6], $0x1000  }
0x19: {  	_ =	swait.ge [sflag:s16], $0x1000  }
0x1a: {  	s18 =	simm.s32 $0x3;
	[sflag:s16] =	ssyncset.done $0x0  }
0x1b: {  	s19 =	sor.u32 $0x1C06, s24;
	s17 =	sadd.s32 s23, s17;
	[sflag:s16] =	ssyncadd.s32 $0xFFFFF000  }
0x1c: {  	[hbm:s17], [sflag:s19] =	dma.local [spmem:s8], $0x1000  }
0x1d: {  	_ =	swait.ge [sflag:s18], $0x1000  }
0x1e: {  	s22 =	simm.s32 $0x4;
	[sflag:s18] =	ssyncset.done $0x0  }
0x1f: {  	s21 =	sor.u32 $0x1C07, s24;
	s20 =	sadd.s32 s23, s20;
	[sflag:s18] =	ssyncadd.s32 $0xFFFFF000  }
0x20: {  	[hbm:s20], [sflag:s21] =	dma.local [spmem:s10], $0x1000  }
0x21: {  	_ =	swait.ge [sflag:s22], $0x1000  }
0x22: {  	s23 =	sadd.s32 s23, s25;
	[sflag:s22] =	ssyncset.done $0x0  }
0x23: {  	s25 =	simm.s32 $0x5;
	s24 =	sor.u32 $0x1C08, s24;
	[sflag:s22] =	ssyncadd.s32 $0xFFFFF000  }
0x24: {  	[hbm:s23], [sflag:s24] =	dma.local [spmem:s12], $0x1000  }
0x25: {  	s29 =	ssub.s32 $0x2, s28;
	_ =	swait.ge [sflag:s25], $0x1000  }
0x26: {  	s30 =	sshrl.u32 s29, $0x1;
	[sflag:s25] =	ssyncset.done $0x0  }
0x27: {  	s26 =	simm.s32 $0x6;
	s29 =	ssub.s32 s29, s30;
	[sflag:s25] =	ssyncadd.s32 $0xFFFFF000  }
0x28: {  	s30 =	smax.u32 s29, $0x1;
	_ =	swait.ge [sflag:s26], $0x1000  }
0x29: {  	p0 =	sne.s32 s30, $0x1;
	[sflag:s26] =	ssyncset.done $0x0  }
.Ltmp0:
0x2a: {  	s28 =	simm.s32 $0x7;
	[sflag:s26] =	ssyncadd.s32 $0xFFFFF000;
	(pc) =	sbr.rel @!p0 .LBB2_2-.Ltmp0, $4  }
0x2b: {  	_ =	swait.ge [sflag:s28], $0x1000  }
0x2c: {  	[sflag:s28] =	ssyncset.done $0x0  }
0x2d: {  	s29 =	simm.s32 $0x8;
	[sflag:s28] =	ssyncadd.s32 $0xFFFFF000  }
0x2e: {  	s30 =	sadd.s32 $0xFFFFFFFF, s30;
	_ =	swait.ge [sflag:s29], $0x1000  }
.LBB2_1:
0x2f: {  	[sflag:s29] =	ssyncset.done $0x0  }
0x30: {  	s31 =	rddreg [dreg:$0x7];
	[sflag:s29] =	ssyncadd.s32 $0xFFFFF000  }
0x31: {  	[spmem:s6], [sflag:s2] =	dma.local [hbm:s31], $0x1000  }
0x32: {  	[spmem:s8], [sflag:s7] =	dma.local [hbm:s3], $0x1000  }
0x33: {  	[spmem:s10], [sflag:s9] =	dma.local [hbm:s4], $0x1000  }
0x34: {  	[spmem:s12], [sflag:s11] =	dma.local [hbm:s5], $0x1000  }
0x35: {  	_ =	swait.ge [sflag:s13], $0x1000  }
0x36: {  	[sflag:s13] =	ssyncset.done $0x0  }
0x37: {  	[sflag:s13] =	ssyncadd.s32 $0xFFFFF000  }
0x38: {  	[hbm:s14], [sflag:s15] =	dma.local [spmem:s6], $0x1000  }
0x39: {  	_ =	swait.ge [sflag:s16], $0x1000  }
0x3a: {  	[sflag:s16] =	ssyncset.done $0x0  }
0x3b: {  	[sflag:s16] =	ssyncadd.s32 $0xFFFFF000  }
0x3c: {  	[hbm:s17], [sflag:s19] =	dma.local [spmem:s8], $0x1000  }
0x3d: {  	_ =	swait.ge [sflag:s18], $0x1000  }
0x3e: {  	[sflag:s18] =	ssyncset.done $0x0  }
0x3f: {  	[sflag:s18] =	ssyncadd.s32 $0xFFFFF000  }
0x40: {  	[hbm:s20], [sflag:s21] =	dma.local [spmem:s10], $0x1000  }
0x41: {  	_ =	swait.ge [sflag:s22], $0x1000  }
0x42: {  	[sflag:s22] =	ssyncset.done $0x0  }
0x43: {  	[sflag:s22] =	ssyncadd.s32 $0xFFFFF000  }
0x44: {  	[hbm:s23], [sflag:s24] =	dma.local [spmem:s12], $0x1000  }
0x45: {  	_ =	swait.ge [sflag:s25], $0x1000  }
0x46: {  	[sflag:s25] =	ssyncset.done $0x0  }
0x47: {  	[sflag:s25] =	ssyncadd.s32 $0xFFFFF000  }
0x48: {  	_ =	swait.ge [sflag:s26], $0x1000  }
0x49: {  	p0 =	sne.s32 s30, $0x1;
	[sflag:s26] =	ssyncset.done $0x0  }
.Ltmp1:
0x4a: {  	[sflag:s26] =	ssyncadd.s32 $0xFFFFF000;
	(pc) =	sbr.rel @p0 .LBB2_1-.Ltmp1, $4  }
0x4b: {  	_ =	swait.ge [sflag:s28], $0x1000  }
0x4c: {  	[sflag:s28] =	ssyncset.done $0x0  }
0x4d: {  	[sflag:s28] =	ssyncadd.s32 $0xFFFFF000  }
0x4e: {  	s30 =	sadd.s32 $0xFFFFFFFF, s30;
	_ =	swait.ge [sflag:s29], $0x1000  }
.LBB2_2:
0x4f: {  	[sflag:s29] =	ssyncset.done $0x0  }
0x50: {  	[sflag:s29] =	ssyncadd.s32 $0xFFFFF000  }
0x51: {  	_ =	sfence.sel $0x180000  }
0x52: {  	[bflag:$0x0] =	sbarrier.arrive $0xFFFF  }
0x53: {  	p0 =	sne.s32 s0, $0x0;
	_ =	strace $0x90000047  }
0x54: {  	s0 =	sadd.s32 @!p0 $0x100000, s1;
	[bflag:$0x2] =	sbarrier.arrive $0xFFFF  }
0x55: {  	[sflag:s0] =	ssyncadd.tile.s32 @!p0 $0x1;
	_ =	shalt  }
.Lfunc_end2:
_tile_overlayer_lowered:
.L_overlay_start_2:
0x56: {  	(tag) =	ssettag $0x2  }
0x57: {  	s0 =	rddreg [dreg:$0x0];
	s2 =	stileid.u32  }
0x58: {  	s1 =	rddreg [dreg:$0x1];
	p0 =	sne.s32 s2, $0x0  }
0x59: {  	s3 =	rddreg [dreg:$0x2];
	[bflag:$0x3] =	sbarrier.arrive $0xFFFF;
	s2 =	simm.s32 @!p0 $0x1C09  }
0x5a: {  	[timem:s3], [sflag:s2] =	dma.local @!p0 [hbm:s0], s1  }
0x5b: {  	s0 =	simm.s32 @!p0 $0x9  }
0x5c: {  	_ =	swait.ge @!p0 [sflag:s0], s1  }
0x5d: {  	s1 =	ssub.s32 @!p0 $0x0, s1;
	[sflag:s0] =	ssyncset.done @!p0 $0x0  }
0x5e: {  	[sflag:s0] =	ssyncadd.s32 @!p0 s1  }
0x5f: {  	[bflag:$0x3] =	sbarrier.arrive $0xFFFF  }
0x60: {  	_ =	shalt  }

</sc_bundles>
